<compile_context>
chip_gen: v7x
topology: tpu7x:2x2x1
jax: 0.10.2.dev20260603
libtpu: 0.0.44.dev20260713+nightly
codegen_flags: <defaults>
</compile_context>

<pallas_src>
import functools

import jax
import jax.numpy as jnp
from jax import lax
from jax.experimental import pallas as pl
from jax.experimental.pallas import tpu as pltpu
from jax.experimental.pallas import tpu_sc as plsc

_HID = 768
_KN = 2


def _sc_gather(table, idx):
    S = idx.shape[0]
    info = plsc.get_sparse_core_info()
    nw = info.num_cores * info.num_subcores
    rows_per_w = S // nw
    mesh = plsc.VectorSubcoreMesh(core_axis_name="c", subcore_axis_name="s")

    @functools.partial(
        pl.kernel,
        mesh=mesh,
        out_type=jax.ShapeDtypeStruct((S, _HID), jnp.float32),
        scratch_types=[
            pltpu.VMEM((rows_per_w,), jnp.int32),
            pltpu.VMEM((rows_per_w, _HID), jnp.float32),
            pltpu.SemaphoreType.DMA,
        ],
    )
    def k(table_hbm, idx_hbm, out_hbm, idx_v, rows_v, sem):
        wid = lax.axis_index("s") * info.num_cores + lax.axis_index("c")
        base = wid * rows_per_w
        pltpu.sync_copy(idx_hbm.at[pl.ds(base, rows_per_w)], idx_v)
        pltpu.async_copy(table_hbm.at[idx_v], rows_v, sem).wait()
        pltpu.sync_copy(rows_v, out_hbm.at[pl.ds(base, rows_per_w)])

    return k(table, idx)


def _stats_body(sub_ref, pos_ref, ones_ref, m_ref, r_ref):
    x = sub_ref[...]
    p = pos_ref[...]
    ones = ones_ref[...]
    dims = (((1,), (1,)), ((), ()))
    sum_p = jnp.sum(p, axis=-1, keepdims=True)
    sumsq_p = jnp.sum(p * p, axis=-1, keepdims=True)
    sum_x = jax.lax.dot_general(ones, x, dims,
                                preferred_element_type=jnp.float32)
    sumsq_x = jax.lax.dot_general(ones, x * x, dims,
                                  preferred_element_type=jnp.float32)
    pdotx = jax.lax.dot_general(p, x, dims,
                                preferred_element_type=jnp.float32)
    inv_h = jnp.float32(1.0 / _HID)
    m = (sum_p + sum_x) * inv_h
    e2 = (sumsq_p + 2.0 * pdotx + sumsq_x) * inv_h
    m_ref[...] = m
    r_ref[...] = jax.lax.rsqrt(e2 - m * m + 1e-12)


def _apply_body(sub_ref, pos_ref, m_ref, r_ref, gamma_ref, beta_ref, out_ref):
    j = pl.program_id(0)
    p = pos_ref[...]
    mt = m_ref[...]
    rt = r_ref[...]
    g = gamma_ref[...]
    b = beta_ref[...]
    S, BN = mt.shape
    lane = jax.lax.broadcasted_iota(jnp.int32, (S, BN), 1)
    for kn in range(_KN):
        x = sub_ref[kn]
        col = j * _KN + kn
        onehot = lane == col
        m = jnp.sum(jnp.where(onehot, mt, 0.0), axis=1, keepdims=True)
        r = jnp.sum(jnp.where(onehot, rt, 0.0), axis=1, keepdims=True)
        out_ref[kn] = (((p + x) - m) * r) * g + b


@jax.jit
def _run(sub2d, seq_length, table, gamma2d, beta2d):
    S = table.shape[0]
    BN = sub2d.shape[0]
    idx = jnp.minimum(jnp.arange(S, dtype=jnp.int32),
                      jnp.int32(seq_length) - 1)
    gathered = _sc_gather(table, idx)
    ones = jnp.ones((1, _HID), jnp.float32)
    m, r = pl.pallas_call(
        _stats_body,
        out_shape=[
            jax.ShapeDtypeStruct((S, BN), jnp.float32),
            jax.ShapeDtypeStruct((S, BN), jnp.float32),
        ],
    )(sub2d, table, ones)

    sub3d = sub2d.reshape(BN, 1, _HID)
    grid = (BN // _KN,)
    out = pl.pallas_call(
        _apply_body,
        grid=grid,
        in_specs=[
            pl.BlockSpec((_KN, 1, _HID), lambda j: (j, 0, 0)),
            pl.BlockSpec((S, _HID), lambda j: (0, 0)),
            pl.BlockSpec((S, BN), lambda j: (0, 0)),
            pl.BlockSpec((S, BN), lambda j: (0, 0)),
            pl.BlockSpec((1, _HID), lambda j: (0, 0)),
            pl.BlockSpec((1, _HID), lambda j: (0, 0)),
        ],
        out_specs=pl.BlockSpec((_KN, S, _HID), lambda j: (j, 0, 0)),
        out_shape=jax.ShapeDtypeStruct((BN, S, _HID), jnp.float32),
        compiler_params=pltpu.CompilerParams(
            dimension_semantics=("arbitrary",),
        ),
    )(sub3d, gathered, m, r, gamma2d, beta2d)
    return out


def kernel(sub_goal, seq_length, pos_table, gamma, beta):
    B, N, H = sub_goal.shape
    S = pos_table.shape[0]
    sub2d = sub_goal.reshape(B * N, H)
    out = _run(sub2d, seq_length, pos_table,
               gamma.reshape(1, H), beta.reshape(1, H))
    return out.reshape(B, N, S, H)

# --- scband reference (transcript-rebuilt; emitter-appended) ---
"""Pipeline reference for scband-position-embeddings-37649683316848 (READ-ONLY COPY).

The authoritative reference and input builder live on the scoring server;
editing this copy changes nothing except your own understanding.
"""

import jax, jax.numpy as jnp
import numpy as np

MAX_POS = 2048
HID = 768


def make_sinusoidal_table():
    j = np.arange(HID)
    denom = np.power(10000.0, 2 * (j // 2) / HID)
    pos_enc = np.arange(MAX_POS)[:, None] / denom[None, :]
    table = np.zeros((MAX_POS, HID), dtype=np.float32)
    table[:, 0::2] = np.sin(pos_enc[:, 0::2])
    table[:, 1::2] = np.cos(pos_enc[:, 1::2])
    return jnp.asarray(table)


def setup_inputs(seed: int = 0) -> dict:
    key = jax.random.key(seed)
    sub_goal = jax.random.normal(key, (4, 8, HID), dtype=jnp.float32)
    return {
        "sub_goal": sub_goal,
        "seq_length": 2048,
        "pos_table": make_sinusoidal_table(),
        "gamma": jnp.ones((HID,), dtype=jnp.float32),
        "beta": jnp.zeros((HID,), dtype=jnp.float32),
    }


def reference(sub_goal, seq_length, pos_table, gamma, beta):
    # position_ids buffer: arange over static extent from pos_table's shape;
    # clamp by traced seq_length (identity for the values setup_inputs passes)
    S = pos_table.shape[0]
    idx = jnp.arange(S)
    position_ids = jnp.minimum(idx, seq_length - 1)[None, None, :]  # [1, 1, S]
    # embedding lookup (gather)
    position_embeddings = jnp.take(pos_table, position_ids, axis=0)  # [1, 1, S, H]
    # word_embeddings = sub_goal.unsqueeze(2).repeat(1, 1, S, 1)
    word_embeddings = jnp.repeat(sub_goal[:, :, None, :], S, axis=2)  # [B, N, S, H]
    embeddings = word_embeddings + position_embeddings
    # LayerNorm(eps=1e-12), biased variance like torch
    mean = jnp.mean(embeddings, axis=-1, keepdims=True)
    var = jnp.var(embeddings, axis=-1, keepdims=True)
    normed = (embeddings - mean) / jnp.sqrt(var + 1e-12)
    out = normed * gamma + beta
    # dropout is identity in eval mode
    return out

if __name__ == "__main__":
    import jax
    _d = setup_inputs()
    print(jax.jit(kernel)(*tuple(_d.values())))

</pallas_src>

<mosaic_0001>
#map = affine_map<(d0, d1) -> (0, 0)>
#map1 = affine_map<(d0, d1) -> (0)>
module attributes {stable_mosaic.version = 14 : i64} {
  func.func @k(%arg0: i32, %arg1: i32, %arg2: memref<2048x768xf32, #tpu.memory_space<hbm>>, %arg3: memref<2048xi32, #tpu.memory_space<hbm>>, %arg4: memref<2048x768xf32, #tpu.memory_space<hbm>>, %arg5: memref<64xi32, #tpu.memory_space<vmem>>, %arg6: memref<64x768xf32, #tpu.memory_space<vmem>>, %arg7: memref<!tpu.dma_semaphore, #tpu.memory_space<semaphore_mem>>) attributes {dimension_semantics = [#tpu.dimension_semantics<core_parallel>, #tpu.dimension_semantics<subcore_parallel>], iteration_bounds = array<i64: 2, 16>, scalar_prefetch = 0 : i64, scratch_operands = 3 : i64, tpu.core_type = #tpu.core_type<sc_vector_subcore>, window_params = [{transform_indices = #map}, {transform_indices = #map1}, {transform_indices = #map}]} {
    %mul3A = arith.constant 2 : i32
    %mul3A_0 = arith.muli %arg1, %mul3A : i32
    %add3A = arith.addi %mul3A_0, %arg0 : i32
    %mul3A_1 = arith.constant 64 : i32
    %mul3A_2 = arith.muli %add3A, %mul3A_1 : i32
    "tpu.region"() ({
      %run_scoped3A = tpu.sem_alloc : memref<!tpu.dma_semaphore, #tpu.memory_space<semaphore_mem>>
      %dma_start3A_7 = tpu.memref_slice %arg3[%mul3A_2] : memref<2048xi32, #tpu.memory_space<hbm>> -> memref<64xi32, #tpu.memory_space<hbm>>
      %dma_start3A_8 = tpu.memref_slice %arg3[%mul3A_2] : memref<2048xi32, #tpu.memory_space<hbm>> -> memref<64xi32, #tpu.memory_space<hbm>>
      tpu.enqueue_dma source(%dma_start3A_8 : memref<64xi32, #tpu.memory_space<hbm>>) target(%arg5 : memref<64xi32, #tpu.memory_space<vmem>>) target_semaphore(%run_scoped3A : memref<!tpu.dma_semaphore, #tpu.memory_space<semaphore_mem>>)
      %dma_wait3A_9 = tpu.memref_slice %arg3[%mul3A_2] : memref<2048xi32, #tpu.memory_space<hbm>> -> memref<64xi32, #tpu.memory_space<hbm>>
      %dma_wait3A_10 = tpu.memref_slice %arg3[%mul3A_2] : memref<2048xi32, #tpu.memory_space<hbm>> -> memref<64xi32, #tpu.memory_space<hbm>>
      tpu.wait_dma2 semaphore(%run_scoped3A : memref<!tpu.dma_semaphore, #tpu.memory_space<semaphore_mem>>) src(%dma_wait3A_10 : memref<64xi32, #tpu.memory_space<hbm>>) dst(%arg5 : memref<64xi32, #tpu.memory_space<vmem>>)
      tpu.yield
    }) : () -> ()
    %dma_start3A = arith.constant 0 : i32
    %dma_start3A_3 = arith.constant 0 : i32
    %dma_start3A_4 = tpu.memref_slice %arg2[%dma_start3A, %dma_start3A_3] : memref<2048x768xf32, #tpu.memory_space<hbm>> -> memref<2048x768xf32, #tpu.memory_space<hbm>>
    tpu.enqueue_indirect_dma source(%dma_start3A_4 : memref<2048x768xf32, #tpu.memory_space<hbm>>) target(%arg6 : memref<64x768xf32, #tpu.memory_space<vmem>>) offsets(%arg5 : memref<64xi32, #tpu.memory_space<vmem>>) semaphore(%arg7 : memref<!tpu.dma_semaphore, #tpu.memory_space<semaphore_mem>>)
    %dma_wait3A = arith.constant 0 : i32
    %dma_wait3A_5 = arith.constant 0 : i32
    %dma_wait3A_6 = tpu.memref_slice %arg2[%dma_wait3A, %dma_wait3A_5] : memref<2048x768xf32, #tpu.memory_space<hbm>> -> memref<2048x768xf32, #tpu.memory_space<hbm>>
    tpu.wait_indirect_dma semaphore(%arg7 : memref<!tpu.dma_semaphore, #tpu.memory_space<semaphore_mem>>) src(%dma_wait3A_6 : memref<2048x768xf32, #tpu.memory_space<hbm>>) dst(%arg6 : memref<64x768xf32, #tpu.memory_space<vmem>>)
    "tpu.region"() ({
      %run_scoped3A = tpu.sem_alloc : memref<!tpu.dma_semaphore, #tpu.memory_space<semaphore_mem>>
      %dma_start3A_7 = arith.constant 0 : i32
      %dma_start3A_8 = tpu.memref_slice %arg4[%mul3A_2, %dma_start3A_7] : memref<2048x768xf32, #tpu.memory_space<hbm>> -> memref<64x768xf32, #tpu.memory_space<hbm>>
      %dma_start3A_9 = arith.constant 0 : i32
      %dma_start3A_10 = tpu.memref_slice %arg4[%mul3A_2, %dma_start3A_9] : memref<2048x768xf32, #tpu.memory_space<hbm>> -> memref<64x768xf32, #tpu.memory_space<hbm>>
      tpu.enqueue_dma source(%arg6 : memref<64x768xf32, #tpu.memory_space<vmem>>) target(%dma_start3A_10 : memref<64x768xf32, #tpu.memory_space<hbm>>) target_semaphore(%run_scoped3A : memref<!tpu.dma_semaphore, #tpu.memory_space<semaphore_mem>>)
      %dma_wait3A_11 = arith.constant 0 : i32
      %dma_wait3A_12 = tpu.memref_slice %arg4[%mul3A_2, %dma_wait3A_11] : memref<2048x768xf32, #tpu.memory_space<hbm>> -> memref<64x768xf32, #tpu.memory_space<hbm>>
      %dma_wait3A_13 = arith.constant 0 : i32
      %dma_wait3A_14 = tpu.memref_slice %arg4[%mul3A_2, %dma_wait3A_13] : memref<2048x768xf32, #tpu.memory_space<hbm>> -> memref<64x768xf32, #tpu.memory_space<hbm>>
      tpu.wait_dma2 semaphore(%run_scoped3A : memref<!tpu.dma_semaphore, #tpu.memory_space<semaphore_mem>>) src(%arg6 : memref<64x768xf32, #tpu.memory_space<vmem>>) dst(%dma_wait3A_14 : memref<64x768xf32, #tpu.memory_space<hbm>>)
      tpu.yield
    }) : () -> ()
    return
  }
}

module attributes {stable_mosaic.version = 14 : i64} {
  func.func @_stats_body(%arg0: memref<32x768xf32, #tpu.memory_space<vmem>>, %arg1: memref<2048x768xf32, #tpu.memory_space<vmem>>, %arg2: memref<1x768xf32, #tpu.memory_space<vmem>>, %arg3: memref<2048x32xf32, #tpu.memory_space<vmem>>, %arg4: memref<2048x32xf32, #tpu.memory_space<vmem>>) attributes {dimension_semantics = [], scalar_prefetch = 0 : i64, scratch_operands = 0 : i64, tpu.core_type = #tpu.core_type<tc>} {
    %get3A = arith.constant 0 : index
    %get3A_0 = arith.constant 0 : index
    %get3A_1 = vector.load %arg0[%get3A, %get3A_0] : memref<32x768xf32, #tpu.memory_space<vmem>>, vector<32x768xf32>
    %get3A_2 = arith.constant 0 : index
    %get3A_3 = arith.constant 0 : index
    %get3A_4 = vector.load %arg1[%get3A_2, %get3A_3] : memref<2048x768xf32, #tpu.memory_space<vmem>>, vector<2048x768xf32>
    %get3A_5 = arith.constant 0 : index
    %get3A_6 = arith.constant 0 : index
    %get3A_7 = vector.load %arg2[%get3A_5, %get3A_6] : memref<1x768xf32, #tpu.memory_space<vmem>>, vector<1x768xf32>
    %reduce_sum3A = arith.constant dense<0.000000e+00> : vector<2048xf32>
    %reduce_sum3A_8 = vector.multi_reduction <add>, %get3A_4, %reduce_sum3A [1] : vector<2048x768xf32> to vector<2048xf32>
    %broadcast_in_dim3A = vector.shape_cast %reduce_sum3A_8 : vector<2048xf32> to vector<2048x1xf32>
    %mul3A = arith.mulf %get3A_4, %get3A_4 : vector<2048x768xf32>
    %reduce_sum3A_9 = arith.constant dense<0.000000e+00> : vector<2048xf32>
    %reduce_sum3A_10 = vector.multi_reduction <add>, %mul3A, %reduce_sum3A_9 [1] : vector<2048x768xf32> to vector<2048xf32>
    %broadcast_in_dim3A_11 = vector.shape_cast %reduce_sum3A_10 : vector<2048xf32> to vector<2048x1xf32>
    %dot_general3A = arith.constant dense<0.000000e+00> : vector<1x32xf32>
    %dot_general3A_12 = tpu.matmul %get3A_7, %get3A_1, %dot_general3A {dimension_numbers = #tpu.dot_dimension_numbers<[1], [1], [0], [0], [0, 0, 1, 0], [], []>, transpose_lhs_hint = false} : vector<1x768xf32>, vector<32x768xf32>, vector<1x32xf32> -> vector<1x32xf32>
    %mul3A_13 = arith.mulf %get3A_1, %get3A_1 : vector<32x768xf32>
    %dot_general3A_14 = arith.constant dense<0.000000e+00> : vector<1x32xf32>
    %dot_general3A_15 = tpu.matmul %get3A_7, %mul3A_13, %dot_general3A_14 {dimension_numbers = #tpu.dot_dimension_numbers<[1], [1], [0], [0], [0, 0, 1, 0], [], []>, transpose_lhs_hint = false} : vector<1x768xf32>, vector<32x768xf32>, vector<1x32xf32> -> vector<1x32xf32>
    %dot_general3A_16 = arith.constant dense<0.000000e+00> : vector<2048x32xf32>
    %dot_general3A_17 = tpu.matmul %get3A_4, %get3A_1, %dot_general3A_16 {dimension_numbers = #tpu.dot_dimension_numbers<[1], [1], [0], [0], [0, 0, 1, 0], [], []>, transpose_lhs_hint = false} : vector<2048x768xf32>, vector<32x768xf32>, vector<2048x32xf32> -> vector<2048x32xf32>
    %add3A = vector.broadcast %broadcast_in_dim3A : vector<2048x1xf32> to vector<2048x32xf32>
    %add3A_18 = vector.broadcast %dot_general3A_12 : vector<1x32xf32> to vector<2048x32xf32>
    %add3A_19 = arith.addf %add3A, %add3A_18 : vector<2048x32xf32>
    %mul3A_20 = arith.constant 0.00130208337 : f32
    %mul3A_21 = vector.broadcast %mul3A_20 : f32 to vector<2048x32xf32>
    %mul3A_22 = arith.mulf %add3A_19, %mul3A_21 : vector<2048x32xf32>
    %mul3A_23 = arith.constant 2.000000e+00 : f32
    %mul3A_24 = vector.broadcast %mul3A_23 : f32 to vector<2048x32xf32>
    %mul3A_25 = arith.mulf %mul3A_24, %dot_general3A_17 : vector<2048x32xf32>
    %add3A_26 = vector.broadcast %broadcast_in_dim3A_11 : vector<2048x1xf32> to vector<2048x32xf32>
    %add3A_27 = arith.addf %add3A_26, %mul3A_25 : vector<2048x32xf32>
    %add3A_28 = vector.broadcast %dot_general3A_15 : vector<1x32xf32> to vector<2048x32xf32>
    %add3A_29 = arith.addf %add3A_27, %add3A_28 : vector<2048x32xf32>
    %mul3A_30 = arith.constant 0.00130208337 : f32
    %mul3A_31 = vector.broadcast %mul3A_30 : f32 to vector<2048x32xf32>
    %mul3A_32 = arith.mulf %add3A_29, %mul3A_31 : vector<2048x32xf32>
    %swap3A = arith.constant 0 : index
    %swap3A_33 = arith.constant 0 : index
    %swap3A_34 = vector.load %arg3[%swap3A, %swap3A_33] : memref<2048x32xf32, #tpu.memory_space<vmem>>, vector<2048x32xf32>
    tpu.vector_store %arg3[%swap3A, %swap3A_33], %mul3A_22 {strides = array<i32>} : memref<2048x32xf32, #tpu.memory_space<vmem>>, vector<2048x32xf32>,
    %mul3A_35 = arith.mulf %mul3A_22, %mul3A_22 : vector<2048x32xf32>
    %sub3A = arith.subf %mul3A_32, %mul3A_35 : vector<2048x32xf32>
    %add3A_36 = arith.constant 9.99999996E-13 : f32
    %add3A_37 = vector.broadcast %add3A_36 : f32 to vector<2048x32xf32>
    %add3A_38 = arith.addf %sub3A, %add3A_37 : vector<2048x32xf32>
    %rsqrt3A = math.rsqrt %add3A_38 : vector<2048x32xf32>
    %swap3A_39 = arith.constant 0 : index
    %swap3A_40 = arith.constant 0 : index
    %swap3A_41 = vector.load %arg4[%swap3A_39, %swap3A_40] : memref<2048x32xf32, #tpu.memory_space<vmem>>, vector<2048x32xf32>
    tpu.vector_store %arg4[%swap3A_39, %swap3A_40], %rsqrt3A {strides = array<i32>} : memref<2048x32xf32, #tpu.memory_space<vmem>>, vector<2048x32xf32>,
    return
  }
}

module attributes {stable_mosaic.version = 14 : i64} {
  func.func @_apply_body(%arg0: i32, %arg1: memref<2x1x768xf32, #tpu.memory_space<vmem>>, %arg2: memref<2048x768xf32, #tpu.memory_space<vmem>>, %arg3: memref<2048x32xf32, #tpu.memory_space<vmem>>, %arg4: memref<2048x32xf32, #tpu.memory_space<vmem>>, %arg5: memref<1x768xf32, #tpu.memory_space<vmem>>, %arg6: memref<1x768xf32, #tpu.memory_space<vmem>>, %arg7: memref<2x2048x768xf32, #tpu.memory_space<vmem>>) attributes {dimension_semantics = [#tpu.dimension_semantics<arbitrary>], iteration_bounds = array<i64: 16>, scalar_prefetch = 0 : i64, scratch_operands = 0 : i64, tpu.core_type = #tpu.core_type<tc>, window_params = [{transform_indices = @transform_0, window_bounds = array<i64: 2, 1, 768>}, {pipeline_mode = #tpu.pipeline_mode<synchronous>, transform_indices = @transform_1, window_bounds = array<i64: 2048, 768>}, {pipeline_mode = #tpu.pipeline_mode<synchronous>, transform_indices = @transform_2, window_bounds = array<i64: 2048, 32>}, {pipeline_mode = #tpu.pipeline_mode<synchronous>, transform_indices = @transform_3, window_bounds = array<i64: 2048, 32>}, {pipeline_mode = #tpu.pipeline_mode<synchronous>, transform_indices = @transform_4, window_bounds = array<i64: 1, 768>}, {pipeline_mode = #tpu.pipeline_mode<synchronous>, transform_indices = @transform_5, window_bounds = array<i64: 1, 768>}, {transform_indices = @transform_6, window_bounds = array<i64: 2, 2048, 768>}]} {
    %get3A = arith.constant 0 : index
    %get3A_0 = arith.constant 0 : index
    %get3A_1 = vector.load %arg2[%get3A, %get3A_0] : memref<2048x768xf32, #tpu.memory_space<vmem>>, vector<2048x768xf32>
    %get3A_2 = arith.constant 0 : index
    %get3A_3 = arith.constant 0 : index
    %get3A_4 = vector.load %arg3[%get3A_2, %get3A_3] : memref<2048x32xf32, #tpu.memory_space<vmem>>, vector<2048x32xf32>
    %get3A_5 = arith.constant 0 : index
    %get3A_6 = arith.constant 0 : index
    %get3A_7 = vector.load %arg4[%get3A_5, %get3A_6] : memref<2048x32xf32, #tpu.memory_space<vmem>>, vector<2048x32xf32>
    %get3A_8 = arith.constant 0 : index
    %get3A_9 = arith.constant 0 : index
    %get3A_10 = vector.load %arg5[%get3A_8, %get3A_9] : memref<1x768xf32, #tpu.memory_space<vmem>>, vector<1x768xf32>
    %get3A_11 = arith.constant 0 : index
    %get3A_12 = arith.constant 0 : index
    %get3A_13 = vector.load %arg6[%get3A_11, %get3A_12] : memref<1x768xf32, #tpu.memory_space<vmem>>, vector<1x768xf32>
    %iota3A = tpu.iota {dimensions = array<i32: 1>} : vector<2048x32xi32>
    %get3A_14 = arith.constant 0 : index
    %get3A_15 = arith.constant 0 : index
    %get3A_16 = arith.constant 0 : index
    %get3A_17 = vector.load %arg1[%get3A_14, %get3A_15, %get3A_16] : memref<2x1x768xf32, #tpu.memory_space<vmem>>, vector<1x1x768xf32>
    %get3A_18 = vector.shape_cast %get3A_17 : vector<1x1x768xf32> to vector<1x768xf32>
    %mul3A = arith.constant 2 : i32
    %mul3A_19 = arith.muli %arg0, %mul3A : i32
    %add3A = arith.constant 0 : i32
    %add3A_20 = arith.addi %mul3A_19, %add3A : i32
    %eq3A = vector.broadcast %add3A_20 : i32 to vector<2048x32xi32>
    %eq3A_21 = arith.cmpi eq, %iota3A, %eq3A : vector<2048x32xi32>
    %jit3A = arith.constant 0.000000e+00 : f32
    %broadcast_in_dim3A = vector.broadcast %jit3A : f32 to vector<2048x32xf32>
    %select_n3A = arith.select %eq3A_21, %get3A_4, %broadcast_in_dim3A : vector<2048x32xi1>, vector<2048x32xf32>
    %reduce_sum3A = arith.constant dense<0.000000e+00> : vector<2048xf32>
    %reduce_sum3A_22 = vector.multi_reduction <add>, %select_n3A, %reduce_sum3A [1] : vector<2048x32xf32> to vector<2048xf32>
    %broadcast_in_dim3A_23 = vector.shape_cast %reduce_sum3A_22 : vector<2048xf32> to vector<2048x1xf32>
    %jit3A_24 = arith.constant 0.000000e+00 : f32
    %broadcast_in_dim3A_25 = vector.broadcast %jit3A_24 : f32 to vector<2048x32xf32>
    %select_n3A_26 = arith.select %eq3A_21, %get3A_7, %broadcast_in_dim3A_25 : vector<2048x32xi1>, vector<2048x32xf32>
    %reduce_sum3A_27 = arith.constant dense<0.000000e+00> : vector<2048xf32>
    %reduce_sum3A_28 = vector.multi_reduction <add>, %select_n3A_26, %reduce_sum3A_27 [1] : vector<2048x32xf32> to vector<2048xf32>
    %broadcast_in_dim3A_29 = vector.shape_cast %reduce_sum3A_28 : vector<2048xf32> to vector<2048x1xf32>
    %add3A_30 = vector.broadcast %get3A_18 : vector<1x768xf32> to vector<2048x768xf32>
    %add3A_31 = arith.addf %get3A_1, %add3A_30 : vector<2048x768xf32>
    %sub3A = vector.broadcast %broadcast_in_dim3A_23 : vector<2048x1xf32> to vector<2048x768xf32>
    %sub3A_32 = arith.subf %add3A_31, %sub3A : vector<2048x768xf32>
    %mul3A_33 = vector.broadcast %broadcast_in_dim3A_29 : vector<2048x1xf32> to vector<2048x768xf32>
    %mul3A_34 = arith.mulf %sub3A_32, %mul3A_33 : vector<2048x768xf32>
    %mul3A_35 = vector.broadcast %get3A_10 : vector<1x768xf32> to vector<2048x768xf32>
    %mul3A_36 = arith.mulf %mul3A_34, %mul3A_35 : vector<2048x768xf32>
    %add3A_37 = vector.broadcast %get3A_13 : vector<1x768xf32> to vector<2048x768xf32>
    %add3A_38 = arith.addf %mul3A_36, %add3A_37 : vector<2048x768xf32>
    %swap3A = arith.constant 0 : index
    %swap3A_39 = arith.constant 0 : index
    %swap3A_40 = arith.constant 0 : index
    %swap3A_41 = vector.load %arg7[%swap3A, %swap3A_39, %swap3A_40] : memref<2x2048x768xf32, #tpu.memory_space<vmem>>, vector<1x2048x768xf32>
    %swap3A_42 = vector.shape_cast %swap3A_41 : vector<1x2048x768xf32> to vector<2048x768xf32>
    %swap3A_43 = vector.shape_cast %add3A_38 : vector<2048x768xf32> to vector<1x2048x768xf32>
    tpu.vector_store %arg7[%swap3A, %swap3A_39, %swap3A_40], %swap3A_43 {strides = array<i32>} : memref<2x2048x768xf32, #tpu.memory_space<vmem>>, vector<1x2048x768xf32>,
    %get3A_44 = arith.constant 1 : index
    %get3A_45 = arith.constant 0 : index
    %get3A_46 = arith.constant 0 : index
    %get3A_47 = vector.load %arg1[%get3A_44, %get3A_45, %get3A_46] : memref<2x1x768xf32, #tpu.memory_space<vmem>>, vector<1x1x768xf32>
    %get3A_48 = vector.shape_cast %get3A_47 : vector<1x1x768xf32> to vector<1x768xf32>
    %mul3A_49 = arith.constant 2 : i32
    %mul3A_50 = arith.muli %arg0, %mul3A_49 : i32
    %add3A_51 = arith.constant 1 : i32
    %add3A_52 = arith.addi %mul3A_50, %add3A_51 : i32
    %eq3A_53 = vector.broadcast %add3A_52 : i32 to vector<2048x32xi32>
    %eq3A_54 = arith.cmpi eq, %iota3A, %eq3A_53 : vector<2048x32xi32>
    %jit3A_55 = arith.constant 0.000000e+00 : f32
    %broadcast_in_dim3A_56 = vector.broadcast %jit3A_55 : f32 to vector<2048x32xf32>
    %select_n3A_57 = arith.select %eq3A_54, %get3A_4, %broadcast_in_dim3A_56 : vector<2048x32xi1>, vector<2048x32xf32>
    %reduce_sum3A_58 = arith.constant dense<0.000000e+00> : vector<2048xf32>
    %reduce_sum3A_59 = vector.multi_reduction <add>, %select_n3A_57, %reduce_sum3A_58 [1] : vector<2048x32xf32> to vector<2048xf32>
    %broadcast_in_dim3A_60 = vector.shape_cast %reduce_sum3A_59 : vector<2048xf32> to vector<2048x1xf32>
    %jit3A_61 = arith.constant 0.000000e+00 : f32
    %broadcast_in_dim3A_62 = vector.broadcast %jit3A_61 : f32 to vector<2048x32xf32>
    %select_n3A_63 = arith.select %eq3A_54, %get3A_7, %broadcast_in_dim3A_62 : vector<2048x32xi1>, vector<2048x32xf32>
    %reduce_sum3A_64 = arith.constant dense<0.000000e+00> : vector<2048xf32>
    %reduce_sum3A_65 = vector.multi_reduction <add>, %select_n3A_63, %reduce_sum3A_64 [1] : vector<2048x32xf32> to vector<2048xf32>
    %broadcast_in_dim3A_66 = vector.shape_cast %reduce_sum3A_65 : vector<2048xf32> to vector<2048x1xf32>
    %add3A_67 = vector.broadcast %get3A_48 : vector<1x768xf32> to vector<2048x768xf32>
    %add3A_68 = arith.addf %get3A_1, %add3A_67 : vector<2048x768xf32>
    %sub3A_69 = vector.broadcast %broadcast_in_dim3A_60 : vector<2048x1xf32> to vector<2048x768xf32>
    %sub3A_70 = arith.subf %add3A_68, %sub3A_69 : vector<2048x768xf32>
    %mul3A_71 = vector.broadcast %broadcast_in_dim3A_66 : vector<2048x1xf32> to vector<2048x768xf32>
    %mul3A_72 = arith.mulf %sub3A_70, %mul3A_71 : vector<2048x768xf32>
    %mul3A_73 = vector.broadcast %get3A_10 : vector<1x768xf32> to vector<2048x768xf32>
    %mul3A_74 = arith.mulf %mul3A_72, %mul3A_73 : vector<2048x768xf32>
    %add3A_75 = vector.broadcast %get3A_13 : vector<1x768xf32> to vector<2048x768xf32>
    %add3A_76 = arith.addf %mul3A_74, %add3A_75 : vector<2048x768xf32>
    %swap3A_77 = arith.constant 1 : index
    %swap3A_78 = arith.constant 0 : index
    %swap3A_79 = arith.constant 0 : index
    %swap3A_80 = vector.load %arg7[%swap3A_77, %swap3A_78, %swap3A_79] : memref<2x2048x768xf32, #tpu.memory_space<vmem>>, vector<1x2048x768xf32>
    %swap3A_81 = vector.shape_cast %swap3A_80 : vector<1x2048x768xf32> to vector<2048x768xf32>
    %swap3A_82 = vector.shape_cast %add3A_76 : vector<2048x768xf32> to vector<1x2048x768xf32>
    tpu.vector_store %arg7[%swap3A_77, %swap3A_78, %swap3A_79], %swap3A_82 {strides = array<i32>} : memref<2x2048x768xf32, #tpu.memory_space<vmem>>, vector<1x2048x768xf32>,
    return
  }
  func.func @transform_0(%arg0: i32) -> (i32, i32, i32) {
    %c0_i32 = arith.constant 0 : i32
    %c0_i32_0 = arith.constant 0 : i32
    %c0_i32_1 = arith.constant 0 : i32
    return %arg0, %c0_i32, %c0_i32_0 : i32, i32, i32
  }
  func.func @transform_1(%arg0: i32) -> (i32, i32) {
    %c0_i32 = arith.constant 0 : i32
    %c0_i32_0 = arith.constant 0 : i32
    %c0_i32_1 = arith.constant 0 : i32
    return %c0_i32, %c0_i32_0 : i32, i32
  }
  func.func @transform_2(%arg0: i32) -> (i32, i32) {
    %c0_i32 = arith.constant 0 : i32
    %c0_i32_0 = arith.constant 0 : i32
    %c0_i32_1 = arith.constant 0 : i32
    return %c0_i32, %c0_i32_0 : i32, i32
  }
  func.func @transform_3(%arg0: i32) -> (i32, i32) {
    %c0_i32 = arith.constant 0 : i32
    %c0_i32_0 = arith.constant 0 : i32
    %c0_i32_1 = arith.constant 0 : i32
    return %c0_i32, %c0_i32_0 : i32, i32
  }
  func.func @transform_4(%arg0: i32) -> (i32, i32) {
    %c0_i32 = arith.constant 0 : i32
    %c0_i32_0 = arith.constant 0 : i32
    %c0_i32_1 = arith.constant 0 : i32
    return %c0_i32, %c0_i32_0 : i32, i32
  }
  func.func @transform_5(%arg0: i32) -> (i32, i32) {
    %c0_i32 = arith.constant 0 : i32
    %c0_i32_0 = arith.constant 0 : i32
    %c0_i32_1 = arith.constant 0 : i32
    return %c0_i32, %c0_i32_0 : i32, i32
  }
  func.func @transform_6(%arg0: i32) -> (i32, i32, i32) {
    %c0_i32 = arith.constant 0 : i32
    %c0_i32_0 = arith.constant 0 : i32
    %c0_i32_1 = arith.constant 0 : i32
    return %arg0, %c0_i32, %c0_i32_0 : i32, i32, i32
  }
}

</mosaic_0001>

<sc_bundles>
// kernel: _run.5.cloned.1.call-start
scs
__scs_entry_jumppad:
0x0: {  	(pc) =	sbr.rel $0x88, $3  }
0x1: {  	(tag) =	ssettag $0x0;
	lr =	simm.s32 $0x1  }
0x2: {  	[smem:$0x3F9C] =	sst lr;
	_ =	strace $0xD0000000  }
0x3: {  	_ = 	snop  }
0x4: {  	_ = 	snop  }
0x5: {  	_ = 	snop  }
0x6: {  	_ = 	snop  }
0x7: {  	_ = 	snop  }
__scs_overlays_trampoline_lowered:
0x8: {  	[smem:$0x3FAB] =	sst s0  }
0x9: {  	[smem:$0x3FAC] =	sst s1  }
0xa: {  	[smem:$0x3FAD] =	sst s2  }
0xb: {  	[smem:$0x3FAE] =	sst s3  }
0xc: {  	[smem:$0x3FAF] =	sst s4  }
0xd: {  	[smem:$0x3FB0] =	sst s5  }
0xe: {  	[smem:$0x3FB1] =	sst s6  }
0xf: {  	[smem:$0x3FB2] =	sst s7  }
0x10: {  	[smem:$0x3FB3] =	sst s8  }
0x11: {  	[smem:$0x3FB4] =	sst s9;
	s0 =	simm.s32 @!p0 $0x0  }
0x12: {  	s1 =	sld [smem:$0x3F9A];
	s0 =	simm.s32 @p0 $0x1  }
0x13: {  	[smem:$0x3FB5] =	sst s0;
	s0 =	simm.s32 @!p1 $0x0  }
0x14: {  	s2 =	sld [smem:$0x3F99];
	s0 =	simm.s32 @p1 $0x1  }
0x15: {  	[smem:$0x3FB6] =	sst s0;
	s0 =	simm.s32 @!p2 $0x0  }
0x16: {  	s3 =	sld [smem:$0x3FDB];
	s0 =	simm.s32 @p2 $0x1  }
0x17: {  	s4 =	simm.s32 $0x1BF5;
	[smem:$0x3FB8] =	sst s0  }
0x18: {  	s0 =	sld [smem:$0x3F9B];
	_ =	swait.ge [sflag:s4], $0x0  }
0x19: {  	s7 =	sld [smem:$0x3F9C]  }
0x1a: {  	s8 =	sadd.s32 $0xFFFFE003, lr  }
0x1b: {  	s9 =	sadd.s32 $0xFFFFFEF7, lr;
	s5 =	simm.s32 $0xFFFFFFFF;
	p2 =	slt.u32 s8, $0xFFFFF086  }
0x1c: {  	p1 =	slt.u32 s9, $0xF7A;
	s5 =	simm.s32 @!p2 $0x0  }
0x1d: {  	s5 =	simm.s32 @p1 $0x1;
	p0 =	seq.s32 s7, s2  }
0x1e: {  	s7 =	smul.u32 @!p0 $0xF7A, s2;
	p2 =	seq.s32 @!p0 s5, $0x0  }
0x1f: {  	s9 =	smul.u32 $0xF7A, s1;
	s8 =	simm.s32 @!p0 $0x1BF5;
	p2 =	por !p2, p0  }
0x20: {  	[sflag:s8] =	ssyncset.s32 @!p0 $0xFFFFF086;
	s6 =	sadd.s32 @!p0 s3, s7;
	s7 =	simm.s32 @!p0 $0x108  }
0x21: {  	s3 =	sadd.s32 s3, s9;
	s6 =	sadd.s32 @!p0 $0x88, s6;
	s7 =	simm.s32 @p2 $0x1082  }
0x22: {  	[simem:s7], [sflag:s8] =	dma.local @!p0 [hbm:s6], $0xF7A  }
0x23: {  	s9 =	sor.u32 $0xD0000000, s2;
	s6 =	simm.s32 $0x108;
	_ =	swait.ge @!p0 [sflag:s8], $0x0  }
0x24: {  	s3 =	sadd.s32 $0x88, s3;
	s6 =	simm.s32 @!p1 $0x1082;
	[sflag:s4] =	ssyncset.s32 $0xFFFFF086  }
0x25: {  	[simem:s6], [sflag:s4] =	dma.local [hbm:s3], $0xF7A  }
0x26: {  	[smem:$0x3F9C] =	sst s1;
	(tag) =	ssettag s2;
	_ =	strace s9  }
0x27: {  	s1 =	sld [smem:$0x3FAC]  }
0x28: {  	s2 =	sld [smem:$0x3FAD]  }
0x29: {  	s4 =	sld [smem:$0x3FAF]  }
0x2a: {  	p0 =	seq.s32 s5, $0x0;
	s5 =	sld [smem:$0x3FB0]  }
0x2b: {  	s6 =	sld [smem:$0x3FB1]  }
0x2c: {  	s7 =	sld [smem:$0x3FB2]  }
0x2d: {  	s3 =	simm.s32 $0x108;
	s8 =	sld [smem:$0x3FB3]  }
0x2e: {  	s3 =	simm.s32 @!p0 $0x1082;
	s9 =	sld [smem:$0x3FB4]  }
0x2f: {  	lr =	sadd.s32 s0, s3;
	s0 =	sld [smem:$0x3FAB]  }
0x30: {  	s3 =	sld [smem:$0x3FAE]  }
0x31: {  	[smem:$0x3FB7] =	sst s10  }
0x32: {  	s10 =	sld [smem:$0x3FB5];
	_ =	sdelay $0x3  }
0x33: {  	p0 =	seq.s32 s10, $0x1;
	s10 =	sld [smem:$0x3FB7];
	_ =	sdelay $0x3  }
0x34: {  	[smem:$0x3FB7] =	sst s10  }
0x35: {  	s10 =	sld [smem:$0x3FB6];
	_ =	sdelay $0x3  }
0x36: {  	p1 =	seq.s32 s10, $0x1;
	s10 =	sld [smem:$0x3FB7];
	_ =	sdelay $0x3  }
0x37: {  	[smem:$0x3FB7] =	sst s10  }
0x38: {  	s10 =	sld [smem:$0x3FB8]  }
0x39: {  	_ = 	snop;
	(pc) =	sbr.ind lr, $3  }
0x3a: {  	_ = 	snop  }
0x3b: {  	_ = 	snop  }
0x3c: {  	p2 =	seq.s32 s10, $0x1;
	s10 =	sld [smem:$0x3FB7]  }
0x3d: {  	_ =	shalt  }
0x3e: {  	_ =	shalt  }
0x3f: {  	_ =	shalt  }
0x40: {  	_ =	shalt  }
0x41: {  	_ =	shalt  }
0x42: {  	_ =	shalt  }
0x43: {  	_ =	shalt  }
0x44: {  	_ =	shalt  }
0x45: {  	_ =	shalt  }
0x46: {  	_ =	shalt  }
0x47: {  	_ =	shalt  }
0x48: {  	_ =	shalt  }
0x49: {  	_ =	shalt  }
0x4a: {  	_ =	shalt  }
0x4b: {  	_ =	shalt  }
0x4c: {  	_ =	shalt  }
0x4d: {  	_ =	shalt  }
0x4e: {  	_ =	shalt  }
0x4f: {  	_ =	shalt  }
0x50: {  	_ =	shalt  }
0x51: {  	_ =	shalt  }
0x52: {  	_ =	shalt  }
0x53: {  	_ =	shalt  }
0x54: {  	_ =	shalt  }
0x55: {  	_ =	shalt  }
0x56: {  	_ =	shalt  }
0x57: {  	_ =	shalt  }
0x58: {  	_ =	shalt  }
0x59: {  	_ =	shalt  }
0x5a: {  	_ =	shalt  }
0x5b: {  	_ =	shalt  }
0x5c: {  	_ =	shalt  }
0x5d: {  	_ =	shalt  }
0x5e: {  	_ =	shalt  }
0x5f: {  	_ =	shalt  }
0x60: {  	_ =	shalt  }
0x61: {  	_ =	shalt  }
0x62: {  	_ =	shalt  }
0x63: {  	_ =	shalt  }
0x64: {  	_ =	shalt  }
0x65: {  	_ =	shalt  }
0x66: {  	_ =	shalt  }
0x67: {  	_ =	shalt  }
0x68: {  	_ =	shalt  }
0x69: {  	_ =	shalt  }
0x6a: {  	_ =	shalt  }
0x6b: {  	_ =	shalt  }
0x6c: {  	_ =	shalt  }
0x6d: {  	_ =	shalt  }
0x6e: {  	_ =	shalt  }
0x6f: {  	_ =	shalt  }
0x70: {  	_ =	shalt  }
0x71: {  	_ =	shalt  }
0x72: {  	_ =	shalt  }
0x73: {  	_ =	shalt  }
0x74: {  	_ =	shalt  }
0x75: {  	_ =	shalt  }
0x76: {  	_ =	shalt  }
0x77: {  	_ =	shalt  }
0x78: {  	_ =	shalt  }
0x79: {  	_ =	shalt  }
0x7a: {  	_ =	shalt  }
0x7b: {  	_ =	shalt  }
0x7c: {  	_ =	shalt  }
0x7d: {  	_ =	shalt  }
0x7e: {  	_ =	shalt  }
0x7f: {  	_ =	shalt  }
0x80: {  	_ =	shalt  }
0x81: {  	_ =	shalt  }
0x82: {  	_ =	shalt  }
0x83: {  	_ =	shalt  }
0x84: {  	_ =	shalt  }
0x85: {  	_ =	shalt  }
0x86: {  	_ =	shalt  }
0x87: {  	_ =	shalt  }
.Lfunc_end0:
.L_simem_size_0:
called_computation_lowered:
.L_overlay_start_0:
0x88: {  	s2 =	sld [smem:$0x3FD9]  }
0x89: {  	s3 =	sld [smem:$0x3FFE];
	_ =	sdelay $0x1  }
0x8a: {  	s1 =	srdreg.scid  }
0x8b: {  	s0 =	sand.u32 $0x1, s1  }
0x8c: {  	s17 =	sshll.u32 s0, $0xA;
	s2 =	sadd.s32 s3, s2  }
0x8d: {  	s2 =	sadd.s32 s2, s17  }
0x8e: {  	[smem:$0x3FC3] =	sst s2  }
0x8f: {  	_ = 	snop  }
0x90: {  	s2 =	sld [smem:$0x3FC7]  }
0x91: {  	s18 =	sld [smem:$0x3FD0];
	(tm) =	ssettm $0x1  }
0x92: {  	s4 =	sld [smem:$0x3FFB];
	_ =	sdelay $0x3  }
0x93: {  	_ =	strace s4  }
0x94: {  	s4 =	sld [smem:$0x3FFC];
	_ =	sdelay $0x3  }
0x95: {  	_ =	strace s4  }
0x96: {  	s4 =	sld [smem:$0x3FFD];
	_ =	sdelay $0x3  }
0x97: {  	_ =	strace s4  }
0x98: {  	_ =	strace $0x8FFFFFFF  }
0x99: {  	s19 =	sld [smem:$0x3FDB];
	_ =	sdelay $0x1  }
0x9a: {  	s5 =	simm.s32 $_scs_section_size  }
0x9b: {  	s6 =	simm.s32 $_size__tile_overlayer_lowered;
	s7 =	simm.s32 $_tile_overlayer_lowered  }
0x9c: {  	s22 =	simm.s32 $0x1BFF;
	s21 =	sshll.u32 s7, $0x1;
	s4 =	sadd.s32 s5, s19  }
0x9d: {  	s8 =	simm.s32 $0x0;
	s20 =	sshll.u32 s6, $0x1;
	s6 =	sadd.s32 s21, s4  }
0x9e: {  	[timem:s8], [sflag:s22] =	dma.local [hbm:s6], s20  }
0x9f: {  	_ =	swait.ge [sflag:s22], s20  }
0xa0: {  	s5 =	ssub.s32 $0x0, s20;
	[sflag:s22] =	ssyncset.done $0x0  }
0xa1: {  	[sflag:s22] =	ssyncadd.s32 s5;
	_ =	sdelay $0x1  }
0xa2: {  	s23 =	simm.s32 $0x1B8B  }
0xa3: {  	_ =	swait.ge [sflag:s23], $0x1  }
0xa4: {  	[sflag:s23] =	ssyncset.done $0x0  }
0xa5: {  	s25 =	simm.s32 $0x1B8E;
	s24 =	sld [smem:$0x3FFE];
	[sflag:s23] =	ssyncadd.s32 $0xFFFFFFFF  }
0xa6: {  	s26 =	simm.s32 $execute0_lowered;
	[smem:$0x3FD2] =	sst s25  }
0xa7: {  	s6 =	sshll.u32 s26, $0x1;
	_ =	strace $0x80000046;
	[dreg:$0x1] =	wrdreg $0xFFFFFFFF  }
0xa8: {  	s28 =	simm.s32 $_size_execute0_lowered;
	s4 =	sadd.s32 s4, s6;
	[dreg:$0x0] =	wrdreg $0x0  }
0xa9: {  	s6 =	sshll.u32 s28, $0x1;
	[dreg:$0x2] =	wrdreg s4  }
0xaa: {  	[dreg:$0x3] =	wrdreg s6  }
0xab: {  	[dreg:$0x4] =	wrdreg $0xC0  }
0xac: {  	_ =	task [dreg:s8], $0x5FFFF  }
0xad: {  	[dreg:$0x1] =	wrdreg $0xFFFFFFFF  }
0xae: {  	[dreg:$0x0] =	wrdreg $0x60  }
0xaf: {  	[dreg:$0x2] =	wrdreg s2  }
0xb0: {  	[dreg:$0x3] =	wrdreg s24  }
0xb1: {  	[dreg:$0x4] =	wrdreg s18  }
0xb2: {  	[dreg:$0x5] =	wrdreg $0x9  }
0xb3: {  	_ =	task.clear_ibuf [dreg:s8], $0x6FFFF;
	_ =	strace $0x90000046  }
0xb4: {  	s29 =	simm.s32 $0x9;
	_ =	strace $0x80000048  }
0xb5: {  	_ =	swait.ge [sflag:s29], $0x1  }
0xb6: {  	[sflag:s29] =	ssyncadd.s32 $0xFFFFFFFF  }
0xb7: {  	_ =	strace $0x90000048  }
0xb8: {  	_ =	sfence  }
0xb9: {  	s30 =	sld [smem:$0x0];
	_ =	sdelay $0x2  }
0xba: {  	s31 =	sshll.u32 s1, $0xD;
	s1 =	sshrl.u32 s1, $0x2  }
0xbb: {  	s3 =	sand.u32 $0x4000, s31;
	s1 =	sadd.s32 s1, s30  }
0xbc: {  	s0 =	sor.u32 s3, s0;
	s1 =	sshll.u32 s1, $0x11  }
0xbd: {  	s0 =	sor.u32 s1, s0  }
0xbe: {  	s0 =	sadd.s32 $0x8F2B, s0  }
0xbf: {  	[sflag:s0] =	ssyncadd.remote.s32 $0x1  }
0xc0: {  	_ =	sfence.sel $0xFFFF  }
0xc1: {  	[dreg:$0x0] =	wrdreg $0xFFFFFFFF;
	(pc) =	sbr.abs _section_cstart, $3  }
0xc2: {  	[dreg:$0x1] =	wrdreg $0xFFFFFFFF  }
0xc3: {  	_ =	task.clear_ibuf [dreg:s8], $0x2FFFF;
	_ =	strace $0x9FFFFFFF  }
0xc4: {  	(tm) =	ssettm $0x7FFFFFFF  }
0xc5: {  	_ =	shalt  }
tec
execute0_lowered:
.L_overlay_start_1:
0x0: {  	(tag) =	ssettag $0x1  }
0x1: {  	s1 =	rddreg [dreg:$0x0]  }
0x2: {  	s0 =	rddreg [dreg:$0x1]  }
0x3: {  	s5 =	rddreg [dreg:$0x2]  }
0x4: {  	s3 =	srdreg.scid;
	s2 =	stileid.u32;
	s8 =	simm.s32 $0x80  }
0x5: {  	s26 =	simm.s32 $0x880;
	s9 =	simm.s32 $0x1080;
	s10 =	simm.s32 $0x1880  }
0x6: {  	s11 =	simm.s32 $0x2080;
	s12 =	simm.s32 $0x2880;
	s13 =	simm.s32 $0x3080  }
0x7: {  	s14 =	simm.s32 $0x3880;
	s15 =	simm.s32 $0x4080;
	s16 =	simm.s32 $0x4880  }
0x8: {  	s17 =	simm.s32 $0x5080;
	s18 =	simm.s32 $0x5880;
	s19 =	simm.s32 $0x6080  }
0x9: {  	s20 =	simm.s32 $0x6880;
	s21 =	simm.s32 $0x7080;
	s22 =	simm.s32 $0x7880  }
0xa: {  	s23 =	simm.s32 $0x8080;
	s28 =	simm.s32 $0xA080;
	s29 =	simm.s32 $0xA880  }
0xb: {  	s30 =	simm.s32 $0xB080;
	s31 =	simm.s32 $0xB880;
	s4 =	sand.u32 $0x1, s3  }
0xc: {  	s3 =	simm.s32 $0x0;
	s6 =	sshll.u32 s2, $0x4;
	s7 =	sshll.u32 s4, $0x3  }
0xd: {  	[smem:$0x7FF] =	sst s3;
	s4 =	ssub.s32 $0x2, s4;
	s6 =	sor.u32 s7, s6  }
0xe: {  	s24 =	sshrl.u32 s4, $0x1;
	_ =	strace $0x80000047;
	[dreg:$0x6] =	wrdreg s26  }
0xf: {  	s26 =	simm.s32 $0x9880;
	s0 =	sadd.s32 s6, s0;
	s6 =	smul.u32 $0x300, s6  }
0x10: {  	s7 =	ssub.s32 s4, s24;
	s4 =	sadd.s32 $0x100, s1;
	s0 =	sadd.s32 $0x1000, s0  }
0x11: {  	v2 =	vlaneseq.u32;
	s24 =	simm.s32 $0x8880;
	[dreg:$0x4] =	wrdreg s0;
	s25 =	sadd.s32 s5, s6  }
0x12: {  	vm0 =	vmmov $0xffff;
	v1 =	vshrl.u32 v2, $0x3;
	s5 =	sadd.s32 $0x200, s1;
	s6 =	smax.u32 s7, $0x1;
	s7 =	simm.s32 $0x2  }
0x13: {  	v0 =	vand.u32 $0x7, v2;
	v2 =	vor.u32 $0x8, v2;
	v1 =	vmul.u32 $0x8, v1;
	s0 =	simm.s32 $0x1;
	[dreg:$0x5] =	wrdreg s25;
	s25 =	simm.s32 $0x9080  }
.LBB2_1:
0x14: {  	s2 =	rddreg [dreg:$0x4]  }
0x15: {  	[tilespmem:s3], [sflag:$0x2] =	stream.linear.gather [hbm4b:s2+s3], $0x40, $0x38;
	[tilespmem:$0xC080] =	vst v63  }
0x16: {  	_ =	swait.ge [sflag:s7], $0x40  }
0x17: {  	[sflag:s7] =	ssyncset.done $0x0  }
0x18: {  	[sflag:s7] =	ssyncadd.s32 $0xFFFFFFC0  }
0x19: {  	v3 =	vld [tilespmem:$0x0];
	_ =	sdelay $0x4  }
0x1a: {  	v4 =	vshrl.u32 v3, $0x3  }
0x1b: {  	v4 =	vmul.u32 $0x30, v4  }
0x1c: {  	v3 =	vand.u32 $0x7, v3  }
0x1d: {  	v3 =	vor.u32 v3, v4  }
0x1e: {  	v4 =	vperm.xlane v3, v0;
	_ =	sdelay $0x1  }
0x1f: {  	v4 =	vadd.s32 v1, v4;
	_ =	sdelay $0x3  }
0x20: {  	v3 =	vperm.xlane v3, v2  }
0x21: {  	[tilespmem:s8], [sflag:$0x1] =	stream.indirect_vreg.gather [hbm4b:s1+s3], $0x80, v4, vm0, $0xb8;
	[tilespmem:$0xC080] =	vst v63  }
0x22: {  	s2 =	rddreg [dreg:$0x6];
	v3 =	vadd.s32 v1, v3  }
0x23: {  	[tilespmem:s2], [sflag:$0x1] =	stream.indirect_vreg.gather [hbm4b:s4+s3], $0x80, v4, vm0, $0xb8;
	[tilespmem:$0xC080] =	vst v63  }
0x24: {  	_ = 	snop  }
0x25: {  	[tilespmem:s9], [sflag:$0x1] =	stream.indirect_vreg.gather [hbm4b:s5+s3], $0x80, v4, vm0, $0xb8;
	[tilespmem:$0xC080] =	vst v63  }
0x26: {  	_ = 	snop  }
0x27: {  	[tilespmem:s10], [sflag:$0x1] =	stream.indirect_vreg.gather [hbm4b:s1+s3], $0x80, v3, vm0, $0xb8;
	[tilespmem:$0xC080] =	vst v63  }
0x28: {  	_ = 	snop  }
0x29: {  	[tilespmem:s11], [sflag:$0x1] =	stream.indirect_vreg.gather [hbm4b:s4+s3], $0x80, v3, vm0, $0xb8;
	[tilespmem:$0xC080] =	vst v63  }
0x2a: {  	_ = 	snop  }
0x2b: {  	[tilespmem:s12], [sflag:$0x1] =	stream.indirect_vreg.gather [hbm4b:s5+s3], $0x80, v3, vm0, $0xb8;
	[tilespmem:$0xC080] =	vst v63  }
0x2c: {  	v3 =	vld [tilespmem:$0x10];
	_ =	sdelay $0x4  }
0x2d: {  	v61 =	vshrl.u32 v3, $0x3  }
0x2e: {  	v4 =	vmul.u32 $0x30, v61  }
0x2f: {  	v3 =	vand.u32 $0x7, v3  }
0x30: {  	v3 =	vor.u32 v3, v4  }
0x31: {  	v4 =	vperm.xlane v3, v0;
	_ =	sdelay $0x1  }
0x32: {  	v4 =	vadd.s32 v1, v4;
	_ =	sdelay $0x3  }
0x33: {  	v3 =	vperm.xlane v3, v2  }
0x34: {  	[tilespmem:s13], [sflag:$0x1] =	stream.indirect_vreg.gather [hbm4b:s1+s3], $0x80, v4, vm0, $0xb8;
	[tilespmem:$0xC080] =	vst v63  }
0x35: {  	v3 =	vadd.s32 v1, v3  }
0x36: {  	[tilespmem:s14], [sflag:$0x1] =	stream.indirect_vreg.gather [hbm4b:s4+s3], $0x80, v4, vm0, $0xb8;
	[tilespmem:$0xC080] =	vst v63  }
0x37: {  	_ = 	snop  }
0x38: {  	[tilespmem:s15], [sflag:$0x1] =	stream.indirect_vreg.gather [hbm4b:s5+s3], $0x80, v4, vm0, $0xb8;
	[tilespmem:$0xC080] =	vst v63  }
0x39: {  	_ = 	snop  }
0x3a: {  	[tilespmem:s16], [sflag:$0x1] =	stream.indirect_vreg.gather [hbm4b:s1+s3], $0x80, v3, vm0, $0xb8;
	[tilespmem:$0xC080] =	vst v63  }
0x3b: {  	_ = 	snop  }
0x3c: {  	[tilespmem:s17], [sflag:$0x1] =	stream.indirect_vreg.gather [hbm4b:s4+s3], $0x80, v3, vm0, $0xb8;
	[tilespmem:$0xC080] =	vst v63  }
0x3d: {  	_ = 	snop  }
0x3e: {  	[tilespmem:s18], [sflag:$0x1] =	stream.indirect_vreg.gather [hbm4b:s5+s3], $0x80, v3, vm0, $0xb8;
	[tilespmem:$0xC080] =	vst v63  }
0x3f: {  	v3 =	vld [tilespmem:$0x20];
	_ =	sdelay $0x4  }
0x40: {  	v62 =	vshrl.u32 v3, $0x3  }
0x41: {  	v4 =	vmul.u32 $0x30, v62  }
0x42: {  	v3 =	vand.u32 $0x7, v3  }
0x43: {  	v3 =	vor.u32 v3, v4  }
0x44: {  	v4 =	vperm.xlane v3, v0;
	_ =	sdelay $0x1  }
0x45: {  	v4 =	vadd.s32 v1, v4;
	_ =	sdelay $0x3  }
0x46: {  	v3 =	vperm.xlane v3, v2  }
0x47: {  	[tilespmem:s19], [sflag:$0x1] =	stream.indirect_vreg.gather [hbm4b:s1+s3], $0x80, v4, vm0, $0xb8;
	[tilespmem:$0xC080] =	vst v63  }
0x48: {  	v3 =	vadd.s32 v1, v3  }
0x49: {  	[tilespmem:s20], [sflag:$0x1] =	stream.indirect_vreg.gather [hbm4b:s4+s3], $0x80, v4, vm0, $0xb8;
	[tilespmem:$0xC080] =	vst v63  }
0x4a: {  	_ = 	snop  }
0x4b: {  	[tilespmem:s21], [sflag:$0x1] =	stream.indirect_vreg.gather [hbm4b:s5+s3], $0x80, v4, vm0, $0xb8;
	[tilespmem:$0xC080] =	vst v63  }
0x4c: {  	_ = 	snop  }
0x4d: {  	[tilespmem:s22], [sflag:$0x1] =	stream.indirect_vreg.gather [hbm4b:s1+s3], $0x80, v3, vm0, $0xb8;
	[tilespmem:$0xC080] =	vst v63  }
0x4e: {  	_ = 	snop  }
0x4f: {  	[tilespmem:s23], [sflag:$0x1] =	stream.indirect_vreg.gather [hbm4b:s4+s3], $0x80, v3, vm0, $0xb8;
	[tilespmem:$0xC080] =	vst v63  }
0x50: {  	_ = 	snop  }
0x51: {  	[tilespmem:s24], [sflag:$0x1] =	stream.indirect_vreg.gather [hbm4b:s5+s3], $0x80, v3, vm0, $0xb8;
	[tilespmem:$0xC080] =	vst v63  }
0x52: {  	v3 =	vld [tilespmem:$0x30];
	_ =	sdelay $0x4  }
0x53: {  	v63 =	vshrl.u32 v3, $0x3  }
0x54: {  	v4 =	vmul.u32 $0x30, v63  }
0x55: {  	v3 =	vand.u32 $0x7, v3  }
0x56: {  	v3 =	vor.u32 v3, v4  }
0x57: {  	v4 =	vperm.xlane v3, v0;
	_ =	sdelay $0x1  }
0x58: {  	v4 =	vadd.s32 v1, v4;
	_ =	sdelay $0x3  }
0x59: {  	v3 =	vperm.xlane v3, v2  }
0x5a: {  	[tilespmem:s25], [sflag:$0x1] =	stream.indirect_vreg.gather [hbm4b:s1+s3], $0x80, v4, vm0, $0xb8;
	[tilespmem:$0xC080] =	vst v63  }
0x5b: {  	v3 =	vadd.s32 v1, v3  }
0x5c: {  	[tilespmem:s26], [sflag:$0x1] =	stream.indirect_vreg.gather [hbm4b:s4+s3], $0x80, v4, vm0, $0xb8;
	[tilespmem:$0xC080] =	vst v63  }
0x5d: {  	_ = 	snop  }
0x5e: {  	[tilespmem:s28], [sflag:$0x1] =	stream.indirect_vreg.gather [hbm4b:s5+s3], $0x80, v4, vm0, $0xb8;
	[tilespmem:$0xC080] =	vst v63  }
0x5f: {  	_ = 	snop  }
0x60: {  	[tilespmem:s29], [sflag:$0x1] =	stream.indirect_vreg.gather [hbm4b:s1+s3], $0x80, v3, vm0, $0xb8;
	[tilespmem:$0xC080] =	vst v63  }
0x61: {  	_ = 	snop  }
0x62: {  	[tilespmem:s30], [sflag:$0x1] =	stream.indirect_vreg.gather [hbm4b:s4+s3], $0x80, v3, vm0, $0xb8;
	[tilespmem:$0xC080] =	vst v63  }
0x63: {  	_ = 	snop  }
0x64: {  	[tilespmem:s31], [sflag:$0x1] =	stream.indirect_vreg.gather [hbm4b:s5+s3], $0x80, v3, vm0, $0xb8;
	[tilespmem:$0xC080] =	vst v63  }
0x65: {  	_ =	swait.ge [sflag:s0], $0xC000  }
0x66: {  	p0 =	sne.s32 s6, $0x1;
	[sflag:s0] =	ssyncset.done $0x0  }
.Ltmp0:
0x67: {  	s2 =	rddreg [dreg:$0x5];
	[sflag:s0] =	ssyncadd.s32 $0xFFFF4000;
	(pc) =	sbr.rel @p0 .LBB2_1-.Ltmp0, $4  }
0x68: {  	[hbm4b:s2+s3] =	stream.linear.scatter [tilespmem:s8], [sflag:$0x2], $0xC000, $0x38;
	[tilespmem:$0xC080] =	vst v63  }
0x69: {  	_ =	swait.ge [sflag:s7], $0xC000  }
0x6a: {  	[sflag:s7] =	ssyncset.done $0x0  }
0x6b: {  	s6 =	sadd.s32 $0xFFFFFFFF, s6;
	[sflag:s7] =	ssyncadd.s32 $0xFFFF4000  }
0x6c: {  	_ =	sfence.sel $0x180000  }
0x6d: {  	[bflag:$0x0] =	sbarrier.arrive $0xFFFF  }
0x6e: {  	_ =	strace $0x90000047  }
0x6f: {  	s0 =	stileid.u32;
	[bflag:$0x2] =	sbarrier.arrive $0xFFFF  }
0x70: {  	p0 =	sne.s32 s0, $0x0;
	s0 =	rddreg [dreg:$0x3]  }
0x71: {  	s0 =	sadd.s32 @!p0 $0x100000, s0  }
0x72: {  	[sflag:s0] =	ssyncadd.tile.s32 @!p0 $0x1;
	_ =	shalt  }
.Lfunc_end2:
_tile_overlayer_lowered:
.L_overlay_start_2:
0x73: {  	(tag) =	ssettag $0x2  }
0x74: {  	s0 =	rddreg [dreg:$0x0];
	s2 =	stileid.u32  }
0x75: {  	s1 =	rddreg [dreg:$0x1];
	p0 =	sne.s32 s2, $0x0  }
0x76: {  	s3 =	rddreg [dreg:$0x2];
	[bflag:$0x3] =	sbarrier.arrive $0xFFFF;
	s2 =	simm.s32 @!p0 $0x1C02  }
0x77: {  	[timem:s3], [sflag:s2] =	dma.local @!p0 [hbm:s0], s1  }
0x78: {  	s0 =	simm.s32 @!p0 $0x2  }
0x79: {  	_ =	swait.ge @!p0 [sflag:s0], s1  }
0x7a: {  	s1 =	ssub.s32 @!p0 $0x0, s1;
	[sflag:s0] =	ssyncset.done @!p0 $0x0  }
0x7b: {  	[sflag:s0] =	ssyncadd.s32 @!p0 s1  }
0x7c: {  	[bflag:$0x3] =	sbarrier.arrive $0xFFFF  }
0x7d: {  	_ =	shalt  }

</sc_bundles>
